<compile_context>
chip_gen: v7x
topology: tpu7x:2x2x1
jax: 0.10.2.dev20260603
libtpu: 0.0.44.dev20260713+nightly
codegen_flags: <defaults>
</compile_context>

<pallas_src>
import jax
import jax.numpy as jnp
from jax import lax
from jax.experimental import pallas as pl
from jax.experimental.pallas import tpu as pltpu
from jax.experimental.pallas import tpu_sc as plsc

VOCAB = 10000
EMB = 256
B = 4096
L = 200

_INFO = plsc.get_sparse_core_info()
NC = _INFO.num_cores
NS = _INFO.num_subcores
LANES = _INFO.num_lanes
NW = NC * NS
ROWS_PER_W = B // NW
G_PER_W = ROWS_PER_W // LANES

_PROJ_CHUNK = 2000
_PROJ_NCHUNK = VOCAB // _PROJ_CHUNK


def _proj_body(emb_hbm, w_ref, b_ref, out_ref, b16_ref, *scratch):
    bufs = scratch[:_PROJ_NCHUNK]
    sems = scratch[_PROJ_NCHUNK:]
    b16_ref[:] = jnp.broadcast_to(b_ref[0], (LANES,))
    w = w_ref[0] * (1.0 / L)
    cps = [
        pltpu.async_copy(
            emb_hbm.at[pl.ds(i * _PROJ_CHUNK, _PROJ_CHUNK)], bufs[i], sems[i]
        )
        for i in range(_PROJ_NCHUNK)
    ]
    for i in range(_PROJ_NCHUNK):
        cps[i].wait()
        out_ref[pl.ds(i * _PROJ_CHUNK, _PROJ_CHUNK)] = jax.lax.dot_general(
            bufs[i][...], w, (((1,), (0,)), ((), ())),
            preferred_element_type=jnp.float32,
        )


_proj_call = pl.pallas_call(
    _proj_body,
    in_specs=[
        pl.BlockSpec(memory_space=pltpu.HBM),
        pl.BlockSpec((1, EMB), lambda: (0, 0)),
        pl.BlockSpec((1,), lambda: (0,)),
    ],
    out_specs=[
        pl.BlockSpec((VOCAB,), lambda: (0,)),
        pl.BlockSpec((LANES,), lambda: (0,)),
    ],
    out_shape=[
        jax.ShapeDtypeStruct((VOCAB,), jnp.float32),
        jax.ShapeDtypeStruct((LANES,), jnp.float32),
    ],
    scratch_shapes=(
        [pltpu.VMEM((_PROJ_CHUNK, EMB), jnp.float32)] * _PROJ_NCHUNK
        + [pltpu.SemaphoreType.DMA] * _PROJ_NCHUNK
    ),
)


def _sc_body(proj_hbm, resp_hbm, b_hbm, out_hbm, proj_v, resp_v, b_v, out_v, sem):
    wid = lax.axis_index("s") * NC + lax.axis_index("c")
    cp1 = pltpu.async_copy(proj_hbm, proj_v, sem)
    cp2 = pltpu.async_copy(
        resp_hbm.at[:, pl.ds(wid * ROWS_PER_W, ROWS_PER_W)], resp_v, sem
    )
    cp3 = pltpu.async_copy(b_hbm, b_v, sem)
    cp1.wait()
    cp2.wait()
    cp3.wait()
    bvec = b_v[...]

    def step(l, accs):
        new = []
        for g in range(G_PER_W):
            tok = resp_v[l, pl.ds(g * LANES, LANES)]
            new.append(accs[g] + plsc.load_gather(proj_v, [tok]))
        return tuple(new)

    def body(i, accs):
        return step(2 * i + 1, step(2 * i, accs))

    accs = lax.fori_loop(
        0, L // 2, body,
        tuple(jnp.zeros((LANES,), jnp.float32) for _ in range(G_PER_W)),
    )
    for g in range(G_PER_W):
        out_v[pl.ds(g * LANES, LANES)] = accs[g] + bvec
    pltpu.sync_copy(out_v, out_hbm.at[pl.ds(wid * ROWS_PER_W, ROWS_PER_W)])


_sc_call = pl.kernel(
    _sc_body,
    out_type=jax.ShapeDtypeStruct((B,), jnp.float32),
    mesh=plsc.VectorSubcoreMesh(core_axis_name="c", subcore_axis_name="s"),
    compiler_params=pltpu.CompilerParams(needs_layout_passes=False),
    scratch_types=[
        pltpu.VMEM((VOCAB,), jnp.float32),
        pltpu.VMEM((L, ROWS_PER_W), jnp.int32),
        pltpu.VMEM((LANES,), jnp.float32),
        pltpu.VMEM((ROWS_PER_W,), jnp.float32),
        pltpu.SemaphoreType.DMA,
    ],
)


@jax.jit
def kernel(response, emb_table, W, b):
    proj, b16 = _proj_call(emb_table, W, b)
    out = _sc_call(proj, response.T, b16)
    return out.reshape(B, 1)

# --- scband reference (transcript-rebuilt; emitter-appended) ---
"""Pipeline reference for scband-reward-model-42838003810794 (READ-ONLY COPY).

The authoritative reference and input builder live on the scoring server;
editing this copy changes nothing except your own understanding.
"""

import jax, jax.numpy as jnp
import numpy as np

VOCAB = 10000
EMB = 256
B = 4096
L = 200

def setup_inputs(seed: int = 0) -> dict:
    key = jax.random.key(seed)
    k1, k2, k3, k4 = jax.random.split(key, 4)
    response = jax.random.randint(k1, (B, L), 0, VOCAB, dtype=jnp.int64 if jax.config.read('jax_enable_x64') else jnp.int32).astype(jnp.int32)
    emb_table = jax.random.normal(k2, (VOCAB, EMB), dtype=jnp.float32)
    # nn.Linear(256, 1): weight [1, 256], bias [1]
    W = jax.random.normal(k3, (1, EMB), dtype=jnp.float32) * (1.0 / np.sqrt(EMB))
    b = jax.random.normal(k4, (1,), dtype=jnp.float32) * 0.01
    return {"response": response, "emb_table": emb_table, "W": W, "b": b}

def reference(response, emb_table, W, b):
    # nn.Embedding lookup -> gather rows
    response_embedding = jnp.take(emb_table, response, axis=0)  # [B, L, EMB]
    response_embedding = response_embedding.mean(axis=1)        # [B, EMB]
    score = response_embedding @ W.T + b                        # [B, 1]
    return score

if __name__ == "__main__":
    import jax
    _d = setup_inputs()
    print(jax.jit(kernel)(*tuple(_d.values())))

</pallas_src>

<mosaic_0001>
#map = affine_map<(d0, d1) -> (0)>
#map1 = affine_map<(d0, d1) -> (0, 0)>
module attributes {stable_mosaic.version = 14 : i64} {
  func.func @_sc_body(%arg0: i32, %arg1: i32, %arg2: memref<10000xf32, #tpu.memory_space<hbm>>, %arg3: memref<200x4096xi32, #tpu.memory_space<hbm>>, %arg4: memref<16xf32, #tpu.memory_space<hbm>>, %arg5: memref<4096xf32, #tpu.memory_space<hbm>>, %arg6: memref<10000xf32, #tpu.memory_space<vmem>>, %arg7: memref<200x128xi32, #tpu.memory_space<vmem>>, %arg8: memref<16xf32, #tpu.memory_space<vmem>>, %arg9: memref<128xf32, #tpu.memory_space<vmem>>, %arg10: memref<!tpu.dma_semaphore, #tpu.memory_space<semaphore_mem>>) attributes {dimension_semantics = [#tpu.dimension_semantics<core_parallel>, #tpu.dimension_semantics<subcore_parallel>], iteration_bounds = array<i64: 2, 16>, scalar_prefetch = 0 : i64, scratch_operands = 5 : i64, tpu.core_type = #tpu.core_type<sc_vector_subcore>, window_params = [{transform_indices = #map}, {transform_indices = #map1}, {transform_indices = #map}, {transform_indices = #map}]} {
    %mul3A = arith.constant 2 : i32
    %mul3A_0 = arith.muli %arg1, %mul3A : i32
    %add3A = arith.addi %mul3A_0, %arg0 : i32
    tpu.enqueue_dma source(%arg2 : memref<10000xf32, #tpu.memory_space<hbm>>) target(%arg6 : memref<10000xf32, #tpu.memory_space<vmem>>) target_semaphore(%arg10 : memref<!tpu.dma_semaphore, #tpu.memory_space<semaphore_mem>>)
    %mul3A_1 = arith.constant 128 : i32
    %mul3A_2 = arith.muli %add3A, %mul3A_1 : i32
    %dma_start3A = arith.constant 0 : i32
    %dma_start3A_3 = tpu.memref_slice %arg3[%dma_start3A, %mul3A_2] : memref<200x4096xi32, #tpu.memory_space<hbm>> -> memref<200x128xi32, #tpu.memory_space<hbm>>
    %dma_start3A_4 = arith.constant 0 : i32
    %dma_start3A_5 = tpu.memref_slice %arg3[%dma_start3A_4, %mul3A_2] : memref<200x4096xi32, #tpu.memory_space<hbm>> -> memref<200x128xi32, #tpu.memory_space<hbm>>
    tpu.enqueue_dma source(%dma_start3A_5 : memref<200x128xi32, #tpu.memory_space<hbm>>) target(%arg7 : memref<200x128xi32, #tpu.memory_space<vmem>>) target_semaphore(%arg10 : memref<!tpu.dma_semaphore, #tpu.memory_space<semaphore_mem>>)
    tpu.enqueue_dma source(%arg4 : memref<16xf32, #tpu.memory_space<hbm>>) target(%arg8 : memref<16xf32, #tpu.memory_space<vmem>>) target_semaphore(%arg10 : memref<!tpu.dma_semaphore, #tpu.memory_space<semaphore_mem>>)
    tpu.wait_dma2 semaphore(%arg10 : memref<!tpu.dma_semaphore, #tpu.memory_space<semaphore_mem>>) src(%arg2 : memref<10000xf32, #tpu.memory_space<hbm>>) dst(%arg6 : memref<10000xf32, #tpu.memory_space<vmem>>)
    %dma_wait3A = arith.constant 0 : i32
    %dma_wait3A_6 = tpu.memref_slice %arg3[%dma_wait3A, %mul3A_2] : memref<200x4096xi32, #tpu.memory_space<hbm>> -> memref<200x128xi32, #tpu.memory_space<hbm>>
    %dma_wait3A_7 = arith.constant 0 : i32
    %dma_wait3A_8 = tpu.memref_slice %arg3[%dma_wait3A_7, %mul3A_2] : memref<200x4096xi32, #tpu.memory_space<hbm>> -> memref<200x128xi32, #tpu.memory_space<hbm>>
    tpu.wait_dma2 semaphore(%arg10 : memref<!tpu.dma_semaphore, #tpu.memory_space<semaphore_mem>>) src(%dma_wait3A_8 : memref<200x128xi32, #tpu.memory_space<hbm>>) dst(%arg7 : memref<200x128xi32, #tpu.memory_space<vmem>>)
    tpu.wait_dma2 semaphore(%arg10 : memref<!tpu.dma_semaphore, #tpu.memory_space<semaphore_mem>>) src(%arg4 : memref<16xf32, #tpu.memory_space<hbm>>) dst(%arg8 : memref<16xf32, #tpu.memory_space<vmem>>)
    %get3A = arith.constant 0 : index
    %get3A_9 = tpu.vector_load %arg8[%get3A] {strides = array<i32>} : memref<16xf32, #tpu.memory_space<vmem>>, vector<16xf32>,
    %broadcast_in_dim3A = arith.constant 0.000000e+00 : f32
    %broadcast_in_dim3A_10 = vector.broadcast %broadcast_in_dim3A : f32 to vector<16xf32>
    %broadcast_in_dim3A_11 = arith.constant 0.000000e+00 : f32
    %broadcast_in_dim3A_12 = vector.broadcast %broadcast_in_dim3A_11 : f32 to vector<16xf32>
    %broadcast_in_dim3A_13 = arith.constant 0.000000e+00 : f32
    %broadcast_in_dim3A_14 = vector.broadcast %broadcast_in_dim3A_13 : f32 to vector<16xf32>
    %broadcast_in_dim3A_15 = arith.constant 0.000000e+00 : f32
    %broadcast_in_dim3A_16 = vector.broadcast %broadcast_in_dim3A_15 : f32 to vector<16xf32>
    %broadcast_in_dim3A_17 = arith.constant 0.000000e+00 : f32
    %broadcast_in_dim3A_18 = vector.broadcast %broadcast_in_dim3A_17 : f32 to vector<16xf32>
    %broadcast_in_dim3A_19 = arith.constant 0.000000e+00 : f32
    %broadcast_in_dim3A_20 = vector.broadcast %broadcast_in_dim3A_19 : f32 to vector<16xf32>
    %broadcast_in_dim3A_21 = arith.constant 0.000000e+00 : f32
    %broadcast_in_dim3A_22 = vector.broadcast %broadcast_in_dim3A_21 : f32 to vector<16xf32>
    %broadcast_in_dim3A_23 = arith.constant 0.000000e+00 : f32
    %broadcast_in_dim3A_24 = vector.broadcast %broadcast_in_dim3A_23 : f32 to vector<16xf32>
    %scan3A = arith.constant 0 : i32
    %scan3A_25 = arith.constant 100 : i32
    %scan3A_26 = arith.addi %scan3A, %scan3A_25 : i32
    %scan3A_27 = arith.constant 1 : i32
    %scan3A_28:8 = scf.for %scan3A_55 = %scan3A to %scan3A_26 step %scan3A_27 iter_args(%scan3A_56 = %broadcast_in_dim3A_10, %scan3A_57 = %broadcast_in_dim3A_12, %scan3A_58 = %broadcast_in_dim3A_14, %scan3A_59 = %broadcast_in_dim3A_16, %scan3A_60 = %broadcast_in_dim3A_18, %scan3A_61 = %broadcast_in_dim3A_20, %scan3A_62 = %broadcast_in_dim3A_22, %scan3A_63 = %broadcast_in_dim3A_24) -> (vector<16xf32>, vector<16xf32>, vector<16xf32>, vector<16xf32>, vector<16xf32>, vector<16xf32>, vector<16xf32>, vector<16xf32>)  : i32 {
      %mul3A_64 = arith.constant 2 : i32
      %mul3A_65 = arith.muli %mul3A_64, %scan3A_55 : i32
      %add3A_66 = arith.constant 1 : i32
      %add3A_67 = arith.addi %mul3A_65, %add3A_66 : i32
      %mul3A_68 = arith.constant 2 : i32
      %mul3A_69 = arith.muli %mul3A_68, %scan3A_55 : i32
      %get3A_70 = arith.index_cast %mul3A_69 : i32 to index
      %get3A_71 = arith.constant 0 : index
      %get3A_72 = tpu.vector_load %arg7[%get3A_70, %get3A_71] {strides = array<i32>} : memref<200x128xi32, #tpu.memory_space<vmem>>, vector<16xi32>,
      %gather3A = tpu.vector_load_idx %arg6[%get3A_72] : memref<10000xf32, #tpu.memory_space<vmem>>[vector<16xi32>], vector<16xf32>,
      %add3A_73 = arith.addf %scan3A_56, %gather3A : vector<16xf32>
      %get3A_74 = arith.index_cast %mul3A_69 : i32 to index
      %get3A_75 = arith.constant 16 : index
      %get3A_76 = tpu.vector_load %arg7[%get3A_74, %get3A_75] {strides = array<i32>} : memref<200x128xi32, #tpu.memory_space<vmem>>, vector<16xi32>,
      %gather3A_77 = tpu.vector_load_idx %arg6[%get3A_76] : memref<10000xf32, #tpu.memory_space<vmem>>[vector<16xi32>], vector<16xf32>,
      %add3A_78 = arith.addf %scan3A_57, %gather3A_77 : vector<16xf32>
      %get3A_79 = arith.index_cast %mul3A_69 : i32 to index
      %get3A_80 = arith.constant 32 : index
      %get3A_81 = tpu.vector_load %arg7[%get3A_79, %get3A_80] {strides = array<i32>} : memref<200x128xi32, #tpu.memory_space<vmem>>, vector<16xi32>,
      %gather3A_82 = tpu.vector_load_idx %arg6[%get3A_81] : memref<10000xf32, #tpu.memory_space<vmem>>[vector<16xi32>], vector<16xf32>,
      %add3A_83 = arith.addf %scan3A_58, %gather3A_82 : vector<16xf32>
      %get3A_84 = arith.index_cast %mul3A_69 : i32 to index
      %get3A_85 = arith.constant 48 : index
      %get3A_86 = tpu.vector_load %arg7[%get3A_84, %get3A_85] {strides = array<i32>} : memref<200x128xi32, #tpu.memory_space<vmem>>, vector<16xi32>,
      %gather3A_87 = tpu.vector_load_idx %arg6[%get3A_86] : memref<10000xf32, #tpu.memory_space<vmem>>[vector<16xi32>], vector<16xf32>,
      %add3A_88 = arith.addf %scan3A_59, %gather3A_87 : vector<16xf32>
      %get3A_89 = arith.index_cast %mul3A_69 : i32 to index
      %get3A_90 = arith.constant 64 : index
      %get3A_91 = tpu.vector_load %arg7[%get3A_89, %get3A_90] {strides = array<i32>} : memref<200x128xi32, #tpu.memory_space<vmem>>, vector<16xi32>,
      %gather3A_92 = tpu.vector_load_idx %arg6[%get3A_91] : memref<10000xf32, #tpu.memory_space<vmem>>[vector<16xi32>], vector<16xf32>,
      %add3A_93 = arith.addf %scan3A_60, %gather3A_92 : vector<16xf32>
      %get3A_94 = arith.index_cast %mul3A_69 : i32 to index
      %get3A_95 = arith.constant 80 : index
      %get3A_96 = tpu.vector_load %arg7[%get3A_94, %get3A_95] {strides = array<i32>} : memref<200x128xi32, #tpu.memory_space<vmem>>, vector<16xi32>,
      %gather3A_97 = tpu.vector_load_idx %arg6[%get3A_96] : memref<10000xf32, #tpu.memory_space<vmem>>[vector<16xi32>], vector<16xf32>,
      %add3A_98 = arith.addf %scan3A_61, %gather3A_97 : vector<16xf32>
      %get3A_99 = arith.index_cast %mul3A_69 : i32 to index
      %get3A_100 = arith.constant 96 : index
      %get3A_101 = tpu.vector_load %arg7[%get3A_99, %get3A_100] {strides = array<i32>} : memref<200x128xi32, #tpu.memory_space<vmem>>, vector<16xi32>,
      %gather3A_102 = tpu.vector_load_idx %arg6[%get3A_101] : memref<10000xf32, #tpu.memory_space<vmem>>[vector<16xi32>], vector<16xf32>,
      %add3A_103 = arith.addf %scan3A_62, %gather3A_102 : vector<16xf32>
      %get3A_104 = arith.index_cast %mul3A_69 : i32 to index
      %get3A_105 = arith.constant 112 : index
      %get3A_106 = tpu.vector_load %arg7[%get3A_104, %get3A_105] {strides = array<i32>} : memref<200x128xi32, #tpu.memory_space<vmem>>, vector<16xi32>,
      %gather3A_107 = tpu.vector_load_idx %arg6[%get3A_106] : memref<10000xf32, #tpu.memory_space<vmem>>[vector<16xi32>], vector<16xf32>,
      %add3A_108 = arith.addf %scan3A_63, %gather3A_107 : vector<16xf32>
      %get3A_109 = arith.index_cast %add3A_67 : i32 to index
      %get3A_110 = arith.constant 0 : index
      %get3A_111 = tpu.vector_load %arg7[%get3A_109, %get3A_110] {strides = array<i32>} : memref<200x128xi32, #tpu.memory_space<vmem>>, vector<16xi32>,
      %gather3A_112 = tpu.vector_load_idx %arg6[%get3A_111] : memref<10000xf32, #tpu.memory_space<vmem>>[vector<16xi32>], vector<16xf32>,
      %add3A_113 = arith.addf %add3A_73, %gather3A_112 : vector<16xf32>
      %get3A_114 = arith.index_cast %add3A_67 : i32 to index
      %get3A_115 = arith.constant 16 : index
      %get3A_116 = tpu.vector_load %arg7[%get3A_114, %get3A_115] {strides = array<i32>} : memref<200x128xi32, #tpu.memory_space<vmem>>, vector<16xi32>,
      %gather3A_117 = tpu.vector_load_idx %arg6[%get3A_116] : memref<10000xf32, #tpu.memory_space<vmem>>[vector<16xi32>], vector<16xf32>,
      %add3A_118 = arith.addf %add3A_78, %gather3A_117 : vector<16xf32>
      %get3A_119 = arith.index_cast %add3A_67 : i32 to index
      %get3A_120 = arith.constant 32 : index
      %get3A_121 = tpu.vector_load %arg7[%get3A_119, %get3A_120] {strides = array<i32>} : memref<200x128xi32, #tpu.memory_space<vmem>>, vector<16xi32>,
      %gather3A_122 = tpu.vector_load_idx %arg6[%get3A_121] : memref<10000xf32, #tpu.memory_space<vmem>>[vector<16xi32>], vector<16xf32>,
      %add3A_123 = arith.addf %add3A_83, %gather3A_122 : vector<16xf32>
      %get3A_124 = arith.index_cast %add3A_67 : i32 to index
      %get3A_125 = arith.constant 48 : index
      %get3A_126 = tpu.vector_load %arg7[%get3A_124, %get3A_125] {strides = array<i32>} : memref<200x128xi32, #tpu.memory_space<vmem>>, vector<16xi32>,
      %gather3A_127 = tpu.vector_load_idx %arg6[%get3A_126] : memref<10000xf32, #tpu.memory_space<vmem>>[vector<16xi32>], vector<16xf32>,
      %add3A_128 = arith.addf %add3A_88, %gather3A_127 : vector<16xf32>
      %get3A_129 = arith.index_cast %add3A_67 : i32 to index
      %get3A_130 = arith.constant 64 : index
      %get3A_131 = tpu.vector_load %arg7[%get3A_129, %get3A_130] {strides = array<i32>} : memref<200x128xi32, #tpu.memory_space<vmem>>, vector<16xi32>,
      %gather3A_132 = tpu.vector_load_idx %arg6[%get3A_131] : memref<10000xf32, #tpu.memory_space<vmem>>[vector<16xi32>], vector<16xf32>,
      %add3A_133 = arith.addf %add3A_93, %gather3A_132 : vector<16xf32>
      %get3A_134 = arith.index_cast %add3A_67 : i32 to index
      %get3A_135 = arith.constant 80 : index
      %get3A_136 = tpu.vector_load %arg7[%get3A_134, %get3A_135] {strides = array<i32>} : memref<200x128xi32, #tpu.memory_space<vmem>>, vector<16xi32>,
      %gather3A_137 = tpu.vector_load_idx %arg6[%get3A_136] : memref<10000xf32, #tpu.memory_space<vmem>>[vector<16xi32>], vector<16xf32>,
      %add3A_138 = arith.addf %add3A_98, %gather3A_137 : vector<16xf32>
      %get3A_139 = arith.index_cast %add3A_67 : i32 to index
      %get3A_140 = arith.constant 96 : index
      %get3A_141 = tpu.vector_load %arg7[%get3A_139, %get3A_140] {strides = array<i32>} : memref<200x128xi32, #tpu.memory_space<vmem>>, vector<16xi32>,
      %gather3A_142 = tpu.vector_load_idx %arg6[%get3A_141] : memref<10000xf32, #tpu.memory_space<vmem>>[vector<16xi32>], vector<16xf32>,
      %add3A_143 = arith.addf %add3A_103, %gather3A_142 : vector<16xf32>
      %get3A_144 = arith.index_cast %add3A_67 : i32 to index
      %get3A_145 = arith.constant 112 : index
      %get3A_146 = tpu.vector_load %arg7[%get3A_144, %get3A_145] {strides = array<i32>} : memref<200x128xi32, #tpu.memory_space<vmem>>, vector<16xi32>,
      %gather3A_147 = tpu.vector_load_idx %arg6[%get3A_146] : memref<10000xf32, #tpu.memory_space<vmem>>[vector<16xi32>], vector<16xf32>,
      %add3A_148 = arith.addf %add3A_108, %gather3A_147 : vector<16xf32>
      scf.yield %add3A_113, %add3A_118, %add3A_123, %add3A_128, %add3A_133, %add3A_138, %add3A_143, %add3A_148 : vector<16xf32>, vector<16xf32>, vector<16xf32>, vector<16xf32>, vector<16xf32>, vector<16xf32>, vector<16xf32>, vector<16xf32>
    }
    %scan3A_29 = arith.constant 100 : i32
    %add3A_30 = arith.addf %scan3A_28#0, %get3A_9 : vector<16xf32>
    %swap3A = arith.constant 0 : index
    %swap3A_31 = tpu.vector_load %arg9[%swap3A] {strides = array<i32>} : memref<128xf32, #tpu.memory_space<vmem>>, vector<16xf32>,
    tpu.vector_store %arg9[%swap3A], %add3A_30 {strides = array<i32>} : memref<128xf32, #tpu.memory_space<vmem>>, vector<16xf32>,
    %add3A_32 = arith.addf %scan3A_28#1, %get3A_9 : vector<16xf32>
    %swap3A_33 = arith.constant 16 : index
    %swap3A_34 = tpu.vector_load %arg9[%swap3A_33] {strides = array<i32>} : memref<128xf32, #tpu.memory_space<vmem>>, vector<16xf32>,
    tpu.vector_store %arg9[%swap3A_33], %add3A_32 {strides = array<i32>} : memref<128xf32, #tpu.memory_space<vmem>>, vector<16xf32>,
    %add3A_35 = arith.addf %scan3A_28#2, %get3A_9 : vector<16xf32>
    %swap3A_36 = arith.constant 32 : index
    %swap3A_37 = tpu.vector_load %arg9[%swap3A_36] {strides = array<i32>} : memref<128xf32, #tpu.memory_space<vmem>>, vector<16xf32>,
    tpu.vector_store %arg9[%swap3A_36], %add3A_35 {strides = array<i32>} : memref<128xf32, #tpu.memory_space<vmem>>, vector<16xf32>,
    %add3A_38 = arith.addf %scan3A_28#3, %get3A_9 : vector<16xf32>
    %swap3A_39 = arith.constant 48 : index
    %swap3A_40 = tpu.vector_load %arg9[%swap3A_39] {strides = array<i32>} : memref<128xf32, #tpu.memory_space<vmem>>, vector<16xf32>,
    tpu.vector_store %arg9[%swap3A_39], %add3A_38 {strides = array<i32>} : memref<128xf32, #tpu.memory_space<vmem>>, vector<16xf32>,
    %add3A_41 = arith.addf %scan3A_28#4, %get3A_9 : vector<16xf32>
    %swap3A_42 = arith.constant 64 : index
    %swap3A_43 = tpu.vector_load %arg9[%swap3A_42] {strides = array<i32>} : memref<128xf32, #tpu.memory_space<vmem>>, vector<16xf32>,
    tpu.vector_store %arg9[%swap3A_42], %add3A_41 {strides = array<i32>} : memref<128xf32, #tpu.memory_space<vmem>>, vector<16xf32>,
    %add3A_44 = arith.addf %scan3A_28#5, %get3A_9 : vector<16xf32>
    %swap3A_45 = arith.constant 80 : index
    %swap3A_46 = tpu.vector_load %arg9[%swap3A_45] {strides = array<i32>} : memref<128xf32, #tpu.memory_space<vmem>>, vector<16xf32>,
    tpu.vector_store %arg9[%swap3A_45], %add3A_44 {strides = array<i32>} : memref<128xf32, #tpu.memory_space<vmem>>, vector<16xf32>,
    %add3A_47 = arith.addf %scan3A_28#6, %get3A_9 : vector<16xf32>
    %swap3A_48 = arith.constant 96 : index
    %swap3A_49 = tpu.vector_load %arg9[%swap3A_48] {strides = array<i32>} : memref<128xf32, #tpu.memory_space<vmem>>, vector<16xf32>,
    tpu.vector_store %arg9[%swap3A_48], %add3A_47 {strides = array<i32>} : memref<128xf32, #tpu.memory_space<vmem>>, vector<16xf32>,
    %add3A_50 = arith.addf %scan3A_28#7, %get3A_9 : vector<16xf32>
    %swap3A_51 = arith.constant 112 : index
    %swap3A_52 = tpu.vector_load %arg9[%swap3A_51] {strides = array<i32>} : memref<128xf32, #tpu.memory_space<vmem>>, vector<16xf32>,
    tpu.vector_store %arg9[%swap3A_51], %add3A_50 {strides = array<i32>} : memref<128xf32, #tpu.memory_space<vmem>>, vector<16xf32>,
    %mul3A_53 = arith.constant 128 : i32
    %mul3A_54 = arith.muli %add3A, %mul3A_53 : i32
    "tpu.region"() ({
      %run_scoped3A = tpu.sem_alloc : memref<!tpu.dma_semaphore, #tpu.memory_space<semaphore_mem>>
      %dma_start3A_55 = tpu.memref_slice %arg5[%mul3A_54] : memref<4096xf32, #tpu.memory_space<hbm>> -> memref<128xf32, #tpu.memory_space<hbm>>
      %dma_start3A_56 = tpu.memref_slice %arg5[%mul3A_54] : memref<4096xf32, #tpu.memory_space<hbm>> -> memref<128xf32, #tpu.memory_space<hbm>>
      tpu.enqueue_dma source(%arg9 : memref<128xf32, #tpu.memory_space<vmem>>) target(%dma_start3A_56 : memref<128xf32, #tpu.memory_space<hbm>>) target_semaphore(%run_scoped3A : memref<!tpu.dma_semaphore, #tpu.memory_space<semaphore_mem>>)
      %dma_wait3A_57 = tpu.memref_slice %arg5[%mul3A_54] : memref<4096xf32, #tpu.memory_space<hbm>> -> memref<128xf32, #tpu.memory_space<hbm>>
      %dma_wait3A_58 = tpu.memref_slice %arg5[%mul3A_54] : memref<4096xf32, #tpu.memory_space<hbm>> -> memref<128xf32, #tpu.memory_space<hbm>>
      tpu.wait_dma2 semaphore(%run_scoped3A : memref<!tpu.dma_semaphore, #tpu.memory_space<semaphore_mem>>) src(%arg9 : memref<128xf32, #tpu.memory_space<vmem>>) dst(%dma_wait3A_58 : memref<128xf32, #tpu.memory_space<hbm>>)
      tpu.yield
    }) : () -> ()
    return
  }
}

module attributes {stable_mosaic.version = 14 : i64} {
  func.func @_proj_body(%arg0: memref<10000x256xf32, #tpu.memory_space<hbm>>, %arg1: memref<1x256xf32, #tpu.memory_space<vmem>>, %arg2: memref<1xf32, #tpu.memory_space<vmem>>, %arg3: memref<10000xf32, #tpu.memory_space<vmem>>, %arg4: memref<16xf32, #tpu.memory_space<vmem>>, %arg5: memref<2000x256xf32, #tpu.memory_space<vmem>>, %arg6: memref<2000x256xf32, #tpu.memory_space<vmem>>, %arg7: memref<2000x256xf32, #tpu.memory_space<vmem>>, %arg8: memref<2000x256xf32, #tpu.memory_space<vmem>>, %arg9: memref<2000x256xf32, #tpu.memory_space<vmem>>, %arg10: memref<!tpu.dma_semaphore, #tpu.memory_space<semaphore_mem>>, %arg11: memref<!tpu.dma_semaphore, #tpu.memory_space<semaphore_mem>>, %arg12: memref<!tpu.dma_semaphore, #tpu.memory_space<semaphore_mem>>, %arg13: memref<!tpu.dma_semaphore, #tpu.memory_space<semaphore_mem>>, %arg14: memref<!tpu.dma_semaphore, #tpu.memory_space<semaphore_mem>>) attributes {dimension_semantics = [], scalar_prefetch = 0 : i64, scratch_operands = 10 : i64, tpu.core_type = #tpu.core_type<tc>} {
    %get3A = arith.constant 0 : index
    %get3A_0 = vector.load %arg2[%get3A] : memref<1xf32, #tpu.memory_space<vmem>>, vector<1xf32>
    %get3A_1 = vector.extract %get3A_0[0] : f32 from vector<1xf32>
    %broadcast_in_dim3A = vector.broadcast %get3A_1 : f32 to vector<16xf32>
    %swap3A = arith.constant 0 : index
    %swap3A_2 = vector.load %arg4[%swap3A] : memref<16xf32, #tpu.memory_space<vmem>>, vector<16xf32>
    tpu.vector_store %arg4[%swap3A], %broadcast_in_dim3A {strides = array<i32>} : memref<16xf32, #tpu.memory_space<vmem>>, vector<16xf32>,
    %get3A_3 = arith.constant 0 : index
    %get3A_4 = arith.constant 0 : index
    %get3A_5 = vector.load %arg1[%get3A_3, %get3A_4] : memref<1x256xf32, #tpu.memory_space<vmem>>, vector<1x256xf32>
    %get3A_6 = vector.shape_cast %get3A_5 : vector<1x256xf32> to vector<256xf32>
    %mul3A = arith.constant 5.000000e-03 : f32
    %mul3A_7 = vector.broadcast %mul3A : f32 to vector<256xf32>
    %mul3A_8 = arith.mulf %get3A_6, %mul3A_7 : vector<256xf32>
    %dma_start3A = arith.constant 0 : i32
    %dma_start3A_9 = arith.constant 0 : i32
    %dma_start3A_10 = tpu.memref_slice %arg0[%dma_start3A, %dma_start3A_9] : memref<10000x256xf32, #tpu.memory_space<hbm>> -> memref<2000x256xf32, #tpu.memory_space<hbm>>
    tpu.enqueue_dma source(%dma_start3A_10 : memref<2000x256xf32, #tpu.memory_space<hbm>>) target(%arg5 : memref<2000x256xf32, #tpu.memory_space<vmem>>) target_semaphore(%arg10 : memref<!tpu.dma_semaphore, #tpu.memory_space<semaphore_mem>>)
    %dma_start3A_11 = arith.constant 2000 : i32
    %dma_start3A_12 = arith.constant 0 : i32
    %dma_start3A_13 = tpu.memref_slice %arg0[%dma_start3A_11, %dma_start3A_12] : memref<10000x256xf32, #tpu.memory_space<hbm>> -> memref<2000x256xf32, #tpu.memory_space<hbm>>
    tpu.enqueue_dma source(%dma_start3A_13 : memref<2000x256xf32, #tpu.memory_space<hbm>>) target(%arg6 : memref<2000x256xf32, #tpu.memory_space<vmem>>) target_semaphore(%arg11 : memref<!tpu.dma_semaphore, #tpu.memory_space<semaphore_mem>>)
    %dma_start3A_14 = arith.constant 4000 : i32
    %dma_start3A_15 = arith.constant 0 : i32
    %dma_start3A_16 = tpu.memref_slice %arg0[%dma_start3A_14, %dma_start3A_15] : memref<10000x256xf32, #tpu.memory_space<hbm>> -> memref<2000x256xf32, #tpu.memory_space<hbm>>
    tpu.enqueue_dma source(%dma_start3A_16 : memref<2000x256xf32, #tpu.memory_space<hbm>>) target(%arg7 : memref<2000x256xf32, #tpu.memory_space<vmem>>) target_semaphore(%arg12 : memref<!tpu.dma_semaphore, #tpu.memory_space<semaphore_mem>>)
    %dma_start3A_17 = arith.constant 6000 : i32
    %dma_start3A_18 = arith.constant 0 : i32
    %dma_start3A_19 = tpu.memref_slice %arg0[%dma_start3A_17, %dma_start3A_18] : memref<10000x256xf32, #tpu.memory_space<hbm>> -> memref<2000x256xf32, #tpu.memory_space<hbm>>
    tpu.enqueue_dma source(%dma_start3A_19 : memref<2000x256xf32, #tpu.memory_space<hbm>>) target(%arg8 : memref<2000x256xf32, #tpu.memory_space<vmem>>) target_semaphore(%arg13 : memref<!tpu.dma_semaphore, #tpu.memory_space<semaphore_mem>>)
    %dma_start3A_20 = arith.constant 8000 : i32
    %dma_start3A_21 = arith.constant 0 : i32
    %dma_start3A_22 = tpu.memref_slice %arg0[%dma_start3A_20, %dma_start3A_21] : memref<10000x256xf32, #tpu.memory_space<hbm>> -> memref<2000x256xf32, #tpu.memory_space<hbm>>
    tpu.enqueue_dma source(%dma_start3A_22 : memref<2000x256xf32, #tpu.memory_space<hbm>>) target(%arg9 : memref<2000x256xf32, #tpu.memory_space<vmem>>) target_semaphore(%arg14 : memref<!tpu.dma_semaphore, #tpu.memory_space<semaphore_mem>>)
    %dma_wait3A = arith.constant 0 : i32
    %dma_wait3A_23 = arith.constant 0 : i32
    %dma_wait3A_24 = tpu.memref_slice %arg0[%dma_wait3A, %dma_wait3A_23] : memref<10000x256xf32, #tpu.memory_space<hbm>> -> memref<2000x256xf32, #tpu.memory_space<hbm>>
    tpu.wait_dma2 semaphore(%arg10 : memref<!tpu.dma_semaphore, #tpu.memory_space<semaphore_mem>>) src(%dma_wait3A_24 : memref<2000x256xf32, #tpu.memory_space<hbm>>) dst(%arg5 : memref<2000x256xf32, #tpu.memory_space<vmem>>)
    %get3A_25 = arith.constant 0 : index
    %get3A_26 = arith.constant 0 : index
    %get3A_27 = vector.load %arg5[%get3A_25, %get3A_26] : memref<2000x256xf32, #tpu.memory_space<vmem>>, vector<2000x256xf32>
    %dot_general3A = arith.constant dense<0.000000e+00> : vector<2000xf32>
    %dot_general3A_28 = tpu.matmul %get3A_27, %mul3A_8, %dot_general3A {dimension_numbers = #tpu.dot_dimension_numbers<[1], [0], [0], [], [0, 0], [], []>, transpose_lhs_hint = false} : vector<2000x256xf32>, vector<256xf32>, vector<2000xf32> -> vector<2000xf32>
    %swap3A_29 = arith.constant 0 : index
    %swap3A_30 = vector.load %arg3[%swap3A_29] : memref<10000xf32, #tpu.memory_space<vmem>>, vector<2000xf32>
    tpu.vector_store %arg3[%swap3A_29], %dot_general3A_28 {strides = array<i32>} : memref<10000xf32, #tpu.memory_space<vmem>>, vector<2000xf32>,
    %dma_wait3A_31 = arith.constant 2000 : i32
    %dma_wait3A_32 = arith.constant 0 : i32
    %dma_wait3A_33 = tpu.memref_slice %arg0[%dma_wait3A_31, %dma_wait3A_32] : memref<10000x256xf32, #tpu.memory_space<hbm>> -> memref<2000x256xf32, #tpu.memory_space<hbm>>
    tpu.wait_dma2 semaphore(%arg11 : memref<!tpu.dma_semaphore, #tpu.memory_space<semaphore_mem>>) src(%dma_wait3A_33 : memref<2000x256xf32, #tpu.memory_space<hbm>>) dst(%arg6 : memref<2000x256xf32, #tpu.memory_space<vmem>>)
    %get3A_34 = arith.constant 0 : index
    %get3A_35 = arith.constant 0 : index
    %get3A_36 = vector.load %arg6[%get3A_34, %get3A_35] : memref<2000x256xf32, #tpu.memory_space<vmem>>, vector<2000x256xf32>
    %dot_general3A_37 = arith.constant dense<0.000000e+00> : vector<2000xf32>
    %dot_general3A_38 = tpu.matmul %get3A_36, %mul3A_8, %dot_general3A_37 {dimension_numbers = #tpu.dot_dimension_numbers<[1], [0], [0], [], [0, 0], [], []>, transpose_lhs_hint = false} : vector<2000x256xf32>, vector<256xf32>, vector<2000xf32> -> vector<2000xf32>
    %swap3A_39 = arith.constant 2000 : index
    %swap3A_40 = vector.load %arg3[%swap3A_39] : memref<10000xf32, #tpu.memory_space<vmem>>, vector<2000xf32>
    tpu.vector_store %arg3[%swap3A_39], %dot_general3A_38 {strides = array<i32>} : memref<10000xf32, #tpu.memory_space<vmem>>, vector<2000xf32>,
    %dma_wait3A_41 = arith.constant 4000 : i32
    %dma_wait3A_42 = arith.constant 0 : i32
    %dma_wait3A_43 = tpu.memref_slice %arg0[%dma_wait3A_41, %dma_wait3A_42] : memref<10000x256xf32, #tpu.memory_space<hbm>> -> memref<2000x256xf32, #tpu.memory_space<hbm>>
    tpu.wait_dma2 semaphore(%arg12 : memref<!tpu.dma_semaphore, #tpu.memory_space<semaphore_mem>>) src(%dma_wait3A_43 : memref<2000x256xf32, #tpu.memory_space<hbm>>) dst(%arg7 : memref<2000x256xf32, #tpu.memory_space<vmem>>)
    %get3A_44 = arith.constant 0 : index
    %get3A_45 = arith.constant 0 : index
    %get3A_46 = vector.load %arg7[%get3A_44, %get3A_45] : memref<2000x256xf32, #tpu.memory_space<vmem>>, vector<2000x256xf32>
    %dot_general3A_47 = arith.constant dense<0.000000e+00> : vector<2000xf32>
    %dot_general3A_48 = tpu.matmul %get3A_46, %mul3A_8, %dot_general3A_47 {dimension_numbers = #tpu.dot_dimension_numbers<[1], [0], [0], [], [0, 0], [], []>, transpose_lhs_hint = false} : vector<2000x256xf32>, vector<256xf32>, vector<2000xf32> -> vector<2000xf32>
    %swap3A_49 = arith.constant 4000 : index
    %swap3A_50 = vector.load %arg3[%swap3A_49] : memref<10000xf32, #tpu.memory_space<vmem>>, vector<2000xf32>
    tpu.vector_store %arg3[%swap3A_49], %dot_general3A_48 {strides = array<i32>} : memref<10000xf32, #tpu.memory_space<vmem>>, vector<2000xf32>,
    %dma_wait3A_51 = arith.constant 6000 : i32
    %dma_wait3A_52 = arith.constant 0 : i32
    %dma_wait3A_53 = tpu.memref_slice %arg0[%dma_wait3A_51, %dma_wait3A_52] : memref<10000x256xf32, #tpu.memory_space<hbm>> -> memref<2000x256xf32, #tpu.memory_space<hbm>>
    tpu.wait_dma2 semaphore(%arg13 : memref<!tpu.dma_semaphore, #tpu.memory_space<semaphore_mem>>) src(%dma_wait3A_53 : memref<2000x256xf32, #tpu.memory_space<hbm>>) dst(%arg8 : memref<2000x256xf32, #tpu.memory_space<vmem>>)
    %get3A_54 = arith.constant 0 : index
    %get3A_55 = arith.constant 0 : index
    %get3A_56 = vector.load %arg8[%get3A_54, %get3A_55] : memref<2000x256xf32, #tpu.memory_space<vmem>>, vector<2000x256xf32>
    %dot_general3A_57 = arith.constant dense<0.000000e+00> : vector<2000xf32>
    %dot_general3A_58 = tpu.matmul %get3A_56, %mul3A_8, %dot_general3A_57 {dimension_numbers = #tpu.dot_dimension_numbers<[1], [0], [0], [], [0, 0], [], []>, transpose_lhs_hint = false} : vector<2000x256xf32>, vector<256xf32>, vector<2000xf32> -> vector<2000xf32>
    %swap3A_59 = arith.constant 6000 : index
    %swap3A_60 = vector.load %arg3[%swap3A_59] : memref<10000xf32, #tpu.memory_space<vmem>>, vector<2000xf32>
    tpu.vector_store %arg3[%swap3A_59], %dot_general3A_58 {strides = array<i32>} : memref<10000xf32, #tpu.memory_space<vmem>>, vector<2000xf32>,
    %dma_wait3A_61 = arith.constant 8000 : i32
    %dma_wait3A_62 = arith.constant 0 : i32
    %dma_wait3A_63 = tpu.memref_slice %arg0[%dma_wait3A_61, %dma_wait3A_62] : memref<10000x256xf32, #tpu.memory_space<hbm>> -> memref<2000x256xf32, #tpu.memory_space<hbm>>
    tpu.wait_dma2 semaphore(%arg14 : memref<!tpu.dma_semaphore, #tpu.memory_space<semaphore_mem>>) src(%dma_wait3A_63 : memref<2000x256xf32, #tpu.memory_space<hbm>>) dst(%arg9 : memref<2000x256xf32, #tpu.memory_space<vmem>>)
    %get3A_64 = arith.constant 0 : index
    %get3A_65 = arith.constant 0 : index
    %get3A_66 = vector.load %arg9[%get3A_64, %get3A_65] : memref<2000x256xf32, #tpu.memory_space<vmem>>, vector<2000x256xf32>
    %dot_general3A_67 = arith.constant dense<0.000000e+00> : vector<2000xf32>
    %dot_general3A_68 = tpu.matmul %get3A_66, %mul3A_8, %dot_general3A_67 {dimension_numbers = #tpu.dot_dimension_numbers<[1], [0], [0], [], [0, 0], [], []>, transpose_lhs_hint = false} : vector<2000x256xf32>, vector<256xf32>, vector<2000xf32> -> vector<2000xf32>
    %swap3A_69 = arith.constant 8000 : index
    %swap3A_70 = vector.load %arg3[%swap3A_69] : memref<10000xf32, #tpu.memory_space<vmem>>, vector<2000xf32>
    tpu.vector_store %arg3[%swap3A_69], %dot_general3A_68 {strides = array<i32>} : memref<10000xf32, #tpu.memory_space<vmem>>, vector<2000xf32>,
    return
  }
}

</mosaic_0001>

<sc_bundles>
// kernel: kernel.4.cloned.1.call-start
scs
__scs_entry_jumppad:
0x0: {  	(pc) =	sbr.rel $0x88, $3  }
0x1: {  	(tag) =	ssettag $0x0;
	lr =	simm.s32 $0x1  }
0x2: {  	[smem:$0x3F9D] =	sst lr;
	_ =	strace $0xD0000000  }
0x3: {  	_ = 	snop  }
0x4: {  	_ = 	snop  }
0x5: {  	_ = 	snop  }
0x6: {  	_ = 	snop  }
0x7: {  	_ = 	snop  }
__scs_overlays_trampoline_lowered:
0x8: {  	[smem:$0x3FAC] =	sst s0  }
0x9: {  	[smem:$0x3FAD] =	sst s1  }
0xa: {  	[smem:$0x3FAE] =	sst s2  }
0xb: {  	[smem:$0x3FAF] =	sst s3  }
0xc: {  	[smem:$0x3FB0] =	sst s4  }
0xd: {  	[smem:$0x3FB1] =	sst s5  }
0xe: {  	[smem:$0x3FB2] =	sst s6  }
0xf: {  	[smem:$0x3FB3] =	sst s7  }
0x10: {  	[smem:$0x3FB4] =	sst s8  }
0x11: {  	[smem:$0x3FB5] =	sst s9;
	s0 =	simm.s32 @!p0 $0x0  }
0x12: {  	s1 =	sld [smem:$0x3F9B];
	s0 =	simm.s32 @p0 $0x1  }
0x13: {  	[smem:$0x3FB6] =	sst s0;
	s0 =	simm.s32 @!p1 $0x0  }
0x14: {  	s2 =	sld [smem:$0x3F9A];
	s0 =	simm.s32 @p1 $0x1  }
0x15: {  	[smem:$0x3FB7] =	sst s0;
	s0 =	simm.s32 @!p2 $0x0  }
0x16: {  	s3 =	sld [smem:$0x3FDB];
	s0 =	simm.s32 @p2 $0x1  }
0x17: {  	s4 =	simm.s32 $0x1BF5;
	[smem:$0x3FB9] =	sst s0  }
0x18: {  	s0 =	sld [smem:$0x3F9C];
	_ =	swait.ge [sflag:s4], $0x0  }
0x19: {  	s7 =	sld [smem:$0x3F9D]  }
0x1a: {  	s8 =	sadd.s32 $0xFFFFE003, lr  }
0x1b: {  	s9 =	sadd.s32 $0xFFFFFEF7, lr;
	s5 =	simm.s32 $0xFFFFFFFF;
	p2 =	slt.u32 s8, $0xFFFFF086  }
0x1c: {  	p1 =	slt.u32 s9, $0xF7A;
	s5 =	simm.s32 @!p2 $0x0  }
0x1d: {  	s5 =	simm.s32 @p1 $0x1;
	p0 =	seq.s32 s7, s2  }
0x1e: {  	s7 =	smul.u32 @!p0 $0xF7A, s2;
	p2 =	seq.s32 @!p0 s5, $0x0  }
0x1f: {  	s9 =	smul.u32 $0xF7A, s1;
	s8 =	simm.s32 @!p0 $0x1BF5;
	p2 =	por !p2, p0  }
0x20: {  	[sflag:s8] =	ssyncset.s32 @!p0 $0xFFFFF086;
	s6 =	sadd.s32 @!p0 s3, s7;
	s7 =	simm.s32 @!p0 $0x108  }
0x21: {  	s3 =	sadd.s32 s3, s9;
	s6 =	sadd.s32 @!p0 $0x88, s6;
	s7 =	simm.s32 @p2 $0x1082  }
0x22: {  	[simem:s7], [sflag:s8] =	dma.local @!p0 [hbm:s6], $0xF7A  }
0x23: {  	s9 =	sor.u32 $0xD0000000, s2;
	s6 =	simm.s32 $0x108;
	_ =	swait.ge @!p0 [sflag:s8], $0x0  }
0x24: {  	s3 =	sadd.s32 $0x88, s3;
	s6 =	simm.s32 @!p1 $0x1082;
	[sflag:s4] =	ssyncset.s32 $0xFFFFF086  }
0x25: {  	[simem:s6], [sflag:s4] =	dma.local [hbm:s3], $0xF7A  }
0x26: {  	[smem:$0x3F9D] =	sst s1;
	(tag) =	ssettag s2;
	_ =	strace s9  }
0x27: {  	s1 =	sld [smem:$0x3FAD]  }
0x28: {  	s2 =	sld [smem:$0x3FAE]  }
0x29: {  	s4 =	sld [smem:$0x3FB0]  }
0x2a: {  	p0 =	seq.s32 s5, $0x0;
	s5 =	sld [smem:$0x3FB1]  }
0x2b: {  	s6 =	sld [smem:$0x3FB2]  }
0x2c: {  	s7 =	sld [smem:$0x3FB3]  }
0x2d: {  	s3 =	simm.s32 $0x108;
	s8 =	sld [smem:$0x3FB4]  }
0x2e: {  	s3 =	simm.s32 @!p0 $0x1082;
	s9 =	sld [smem:$0x3FB5]  }
0x2f: {  	lr =	sadd.s32 s0, s3;
	s0 =	sld [smem:$0x3FAC]  }
0x30: {  	s3 =	sld [smem:$0x3FAF]  }
0x31: {  	[smem:$0x3FB8] =	sst s10  }
0x32: {  	s10 =	sld [smem:$0x3FB6];
	_ =	sdelay $0x3  }
0x33: {  	p0 =	seq.s32 s10, $0x1;
	s10 =	sld [smem:$0x3FB8];
	_ =	sdelay $0x3  }
0x34: {  	[smem:$0x3FB8] =	sst s10  }
0x35: {  	s10 =	sld [smem:$0x3FB7];
	_ =	sdelay $0x3  }
0x36: {  	p1 =	seq.s32 s10, $0x1;
	s10 =	sld [smem:$0x3FB8];
	_ =	sdelay $0x3  }
0x37: {  	[smem:$0x3FB8] =	sst s10  }
0x38: {  	s10 =	sld [smem:$0x3FB9]  }
0x39: {  	_ = 	snop;
	(pc) =	sbr.ind lr, $3  }
0x3a: {  	_ = 	snop  }
0x3b: {  	_ = 	snop  }
0x3c: {  	p2 =	seq.s32 s10, $0x1;
	s10 =	sld [smem:$0x3FB8]  }
0x3d: {  	_ =	shalt  }
0x3e: {  	_ =	shalt  }
0x3f: {  	_ =	shalt  }
0x40: {  	_ =	shalt  }
0x41: {  	_ =	shalt  }
0x42: {  	_ =	shalt  }
0x43: {  	_ =	shalt  }
0x44: {  	_ =	shalt  }
0x45: {  	_ =	shalt  }
0x46: {  	_ =	shalt  }
0x47: {  	_ =	shalt  }
0x48: {  	_ =	shalt  }
0x49: {  	_ =	shalt  }
0x4a: {  	_ =	shalt  }
0x4b: {  	_ =	shalt  }
0x4c: {  	_ =	shalt  }
0x4d: {  	_ =	shalt  }
0x4e: {  	_ =	shalt  }
0x4f: {  	_ =	shalt  }
0x50: {  	_ =	shalt  }
0x51: {  	_ =	shalt  }
0x52: {  	_ =	shalt  }
0x53: {  	_ =	shalt  }
0x54: {  	_ =	shalt  }
0x55: {  	_ =	shalt  }
0x56: {  	_ =	shalt  }
0x57: {  	_ =	shalt  }
0x58: {  	_ =	shalt  }
0x59: {  	_ =	shalt  }
0x5a: {  	_ =	shalt  }
0x5b: {  	_ =	shalt  }
0x5c: {  	_ =	shalt  }
0x5d: {  	_ =	shalt  }
0x5e: {  	_ =	shalt  }
0x5f: {  	_ =	shalt  }
0x60: {  	_ =	shalt  }
0x61: {  	_ =	shalt  }
0x62: {  	_ =	shalt  }
0x63: {  	_ =	shalt  }
0x64: {  	_ =	shalt  }
0x65: {  	_ =	shalt  }
0x66: {  	_ =	shalt  }
0x67: {  	_ =	shalt  }
0x68: {  	_ =	shalt  }
0x69: {  	_ =	shalt  }
0x6a: {  	_ =	shalt  }
0x6b: {  	_ =	shalt  }
0x6c: {  	_ =	shalt  }
0x6d: {  	_ =	shalt  }
0x6e: {  	_ =	shalt  }
0x6f: {  	_ =	shalt  }
0x70: {  	_ =	shalt  }
0x71: {  	_ =	shalt  }
0x72: {  	_ =	shalt  }
0x73: {  	_ =	shalt  }
0x74: {  	_ =	shalt  }
0x75: {  	_ =	shalt  }
0x76: {  	_ =	shalt  }
0x77: {  	_ =	shalt  }
0x78: {  	_ =	shalt  }
0x79: {  	_ =	shalt  }
0x7a: {  	_ =	shalt  }
0x7b: {  	_ =	shalt  }
0x7c: {  	_ =	shalt  }
0x7d: {  	_ =	shalt  }
0x7e: {  	_ =	shalt  }
0x7f: {  	_ =	shalt  }
0x80: {  	_ =	shalt  }
0x81: {  	_ =	shalt  }
0x82: {  	_ =	shalt  }
0x83: {  	_ =	shalt  }
0x84: {  	_ =	shalt  }
0x85: {  	_ =	shalt  }
0x86: {  	_ =	shalt  }
0x87: {  	_ =	shalt  }
.Lfunc_end0:
.L_simem_size_0:
called_computation_lowered:
.L_overlay_start_0:
0x88: {  	s2 =	sld [smem:$0x3FD9]  }
0x89: {  	s3 =	sld [smem:$0x3FFE];
	_ =	sdelay $0x1  }
0x8a: {  	s1 =	srdreg.scid  }
0x8b: {  	s0 =	sand.u32 $0x1, s1  }
0x8c: {  	s17 =	sshll.u32 s0, $0xA;
	s2 =	sadd.s32 s3, s2  }
0x8d: {  	s2 =	sadd.s32 s2, s17  }
0x8e: {  	[smem:$0x3FC4] =	sst s2  }
0x8f: {  	_ = 	snop  }
0x90: {  	s2 =	sld [smem:$0x3FC9]  }
0x91: {  	s18 =	sld [smem:$0x3FD0];
	(tm) =	ssettm $0x1  }
0x92: {  	s4 =	sld [smem:$0x3FFB];
	_ =	sdelay $0x3  }
0x93: {  	_ =	strace s4  }
0x94: {  	s4 =	sld [smem:$0x3FFC];
	_ =	sdelay $0x3  }
0x95: {  	_ =	strace s4  }
0x96: {  	s4 =	sld [smem:$0x3FFD];
	_ =	sdelay $0x3  }
0x97: {  	_ =	strace s4  }
0x98: {  	_ =	strace $0x8FFFFFFF  }
0x99: {  	s19 =	sld [smem:$0x3FDB];
	_ =	sdelay $0x1  }
0x9a: {  	s5 =	simm.s32 $_scs_section_size  }
0x9b: {  	s6 =	simm.s32 $_size__tile_overlayer_lowered;
	s7 =	simm.s32 $_tile_overlayer_lowered  }
0x9c: {  	s22 =	simm.s32 $0x1BFF;
	s21 =	sshll.u32 s7, $0x1;
	s4 =	sadd.s32 s5, s19  }
0x9d: {  	s8 =	simm.s32 $0x0;
	s20 =	sshll.u32 s6, $0x1;
	s6 =	sadd.s32 s21, s4  }
0x9e: {  	[timem:s8], [sflag:s22] =	dma.local [hbm:s6], s20  }
0x9f: {  	_ =	swait.ge [sflag:s22], s20  }
0xa0: {  	s5 =	ssub.s32 $0x0, s20;
	[sflag:s22] =	ssyncset.done $0x0  }
0xa1: {  	[sflag:s22] =	ssyncadd.s32 s5;
	_ =	sdelay $0x1  }
0xa2: {  	s23 =	simm.s32 $0x1B8B  }
0xa3: {  	_ =	swait.ge [sflag:s23], $0x1  }
0xa4: {  	[sflag:s23] =	ssyncset.done $0x0  }
0xa5: {  	s25 =	simm.s32 $0x1B8E;
	s24 =	sld [smem:$0x3FFE];
	[sflag:s23] =	ssyncadd.s32 $0xFFFFFFFF  }
0xa6: {  	s26 =	simm.s32 $execute0_lowered;
	[smem:$0x3FD2] =	sst s25  }
0xa7: {  	s6 =	sshll.u32 s26, $0x1;
	_ =	strace $0x80000046;
	[dreg:$0x1] =	wrdreg $0xFFFFFFFF  }
0xa8: {  	s28 =	simm.s32 $_size_execute0_lowered;
	s4 =	sadd.s32 s4, s6;
	[dreg:$0x0] =	wrdreg $0x0  }
0xa9: {  	s6 =	sshll.u32 s28, $0x1;
	[dreg:$0x2] =	wrdreg s4  }
0xaa: {  	[dreg:$0x3] =	wrdreg s6  }
0xab: {  	[dreg:$0x4] =	wrdreg $0xC0  }
0xac: {  	_ =	task [dreg:s8], $0x5FFFF  }
0xad: {  	[dreg:$0x1] =	wrdreg $0xFFFFFFFF  }
0xae: {  	[dreg:$0x0] =	wrdreg $0x60  }
0xaf: {  	[dreg:$0x2] =	wrdreg s24  }
0xb0: {  	[dreg:$0x3] =	wrdreg s2  }
0xb1: {  	[dreg:$0x4] =	wrdreg s18  }
0xb2: {  	[dreg:$0x5] =	wrdreg $0x9  }
0xb3: {  	_ =	task.clear_ibuf [dreg:s8], $0x6FFFF;
	_ =	strace $0x90000046  }
0xb4: {  	s29 =	simm.s32 $0x9;
	_ =	strace $0x80000048  }
0xb5: {  	_ =	swait.ge [sflag:s29], $0x1  }
0xb6: {  	[sflag:s29] =	ssyncadd.s32 $0xFFFFFFFF  }
0xb7: {  	_ =	strace $0x90000048  }
0xb8: {  	_ =	sfence  }
0xb9: {  	s30 =	sld [smem:$0x0];
	_ =	sdelay $0x2  }
0xba: {  	s31 =	sshll.u32 s1, $0xD;
	s1 =	sshrl.u32 s1, $0x2  }
0xbb: {  	s3 =	sand.u32 $0x4000, s31;
	s1 =	sadd.s32 s1, s30  }
0xbc: {  	s0 =	sor.u32 s3, s0;
	s1 =	sshll.u32 s1, $0x11  }
0xbd: {  	s0 =	sor.u32 s1, s0  }
0xbe: {  	s0 =	sadd.s32 $0x8F2B, s0  }
0xbf: {  	[sflag:s0] =	ssyncadd.remote.s32 $0x1  }
0xc0: {  	_ =	sfence.sel $0xFFFF  }
0xc1: {  	[dreg:$0x0] =	wrdreg $0xFFFFFFFF;
	(pc) =	sbr.abs _section_cstart, $3  }
0xc2: {  	[dreg:$0x1] =	wrdreg $0xFFFFFFFF  }
0xc3: {  	_ =	task.clear_ibuf [dreg:s8], $0x2FFFF;
	_ =	strace $0x9FFFFFFF  }
0xc4: {  	(tm) =	ssettm $0x7FFFFFFF  }
0xc5: {  	_ =	shalt  }
tec
execute0_lowered:
.L_overlay_start_1:
0x0: {  	(tag) =	ssettag $0x1  }
0x1: {  	s4 =	rddreg [dreg:$0x0]  }
0x2: {  	s5 =	rddreg [dreg:$0x1]  }
0x3: {  	s6 =	rddreg [dreg:$0x2]  }
0x4: {  	s0 =	rddreg [dreg:$0x3];
	s2 =	simm.s32 $0x0;
	s7 =	srdreg.scid  }
0x5: {  	s1 =	stileid.u32;
	s11 =	simm.s32 $0x8B80;
	s12 =	simm.s32 $0x1  }
0x6: {  	s13 =	simm.s32 $0x8C00;
	s14 =	simm.s32 $0x2;
	s15 =	simm.s32 $0x0  }
0x7: {  	[smem:$0x7FF] =	sst s2;
	s3 =	sadd.s32 $0xE00, s4;
	s7 =	sand.u32 $0x1, s7  }
0x8: {  	s8 =	sshll.u32 s1, $0x1;
	s4 =	sadd.s32 $0x1400, s4;
	s9 =	ssub.s32 $0x2, s7  }
0x9: {  	_ =	strace $0x80000047;
	s7 =	sor.u32 s7, s8;
	s31 =	sshrl.u32 s9, $0x1  }
0xa: {  	s10 =	sshll.u32 s7, $0x7;
	s7 =	sshll.u32 s7, $0x4;
	s8 =	ssub.s32 s9, s31  }
0xb: {  	s5 =	sadd.s32 s5, s10;
	s6 =	sadd.s32 s6, s7;
	s9 =	simm.s32 $0x8000  }
0xc: {  	s10 =	simm.s32 $0x2780;
	s7 =	smax.u32 s8, $0x1;
	s8 =	simm.s32 $0x400  }
.LBB2_1:
0xd: {  	[tilespmem:s2], [sflag:$0x1] =	stream.linear.gather [hbm4b:s3+s2], $0x2780, $0x38;
	[tilespmem:$0x8C80] =	vst v63  }
0xe: {  	_ = 	snop  }
0xf: {  	[tilespmem:s10], [sflag:$0x1] =	stream.strided.gather [hbm4b:s5+s8], $0x6400, s9, s8, $0x38;
	[tilespmem:$0x8C80] =	vst v63  }
0x10: {  	_ = 	snop  }
0x11: {  	[tilespmem:s11], [sflag:$0x1] =	stream.linear.gather [hbm4b:s4+s2], $0x80, $0x38;
	[tilespmem:$0x8C80] =	vst v63  }
0x12: {  	_ =	swait.ge [sflag:s12], $0x2780  }
0x13: {  	[sflag:s12] =	ssyncset.done $0x0  }
0x14: {  	[sflag:s12] =	ssyncadd.s32 $0xFFFFD880  }
0x15: {  	_ =	swait.ge [sflag:s12], $0x6400  }
0x16: {  	[sflag:s12] =	ssyncset.done $0x0  }
0x17: {  	[sflag:s12] =	ssyncadd.s32 $0xFFFF9C00  }
0x18: {  	_ =	swait.ge [sflag:s12], $0x80  }
0x19: {  	[sflag:s12] =	ssyncset.done $0x0  }
0x1a: {  	[sflag:s12] =	ssyncadd.s32 $0xFFFFFF80  }
0x1b: {  	s16 =	simm.s32 $0x0;
	v0 =	vld [tilespmem:$0x8B80]  }
0x1c: {  	v1 =	vld [tilespmem:s16+$0x2800]  }
0x1d: {  	v2 =	vld [tilespmem:s16+$0x2810]  }
0x1e: {  	v4 =	vld [tilespmem:s16+$0x2820]  }
0x1f: {  	v5 =	vld [tilespmem:s16+$0x2830]  }
0x20: {  	v11 =	vld [tilespmem:s16+$0x2840]  }
0x21: {  	v12 =	vld [tilespmem:s16+$0x2850]  }
0x22: {  	v6 =	vld [tilespmem:s16+$0x2860]  }
0x23: {  	v3 =	vld [tilespmem:s16+$0x2870]  }
0x24: {  	v18 =	vld [tilespmem:s16+$0x2780]  }
0x25: {  	v19 =	vld [tilespmem:s16+$0x2790]  }
0x26: {  	v20 =	vld [tilespmem:s16+$0x27A0]  }
0x27: {  	v21 =	vld [tilespmem:s16+$0x27B0]  }
0x28: {  	v22 =	vld [tilespmem:s16+$0x27C0]  }
0x29: {  	v23 =	vld [tilespmem:s16+$0x27D0]  }
0x2a: {  	v24 =	vld [tilespmem:s16+$0x27E0]  }
0x2b: {  	v17 =	vld [tilespmem:s16+$0x27F0]  }
0x2c: {  	v13 =	vld.idx.msk [tilespmem:v1+s2+$0x0], $0xffff  }
0x2d: {  	v15 =	vld.idx.msk [tilespmem:v2+s2+$0x0], $0xffff  }
0x2e: {  	v7 =	vimm.f32 $0.0e+00;
	v10 =	vimm.f32 $0.0e+00;
	v14 =	vld.idx.msk [tilespmem:v4+s2+$0x0], $0xffff  }
0x2f: {  	v8 =	vimm.f32 $0.0e+00;
	v9 =	vimm.f32 $0.0e+00;
	v16 =	vld.idx.msk [tilespmem:v5+s2+$0x0], $0xffff;
	v1 =	vimm.f32 $0.0e+00  }
0x30: {  	s16 =	simm.s32 $0x400;
	v11 =	vld.idx.msk [tilespmem:v11+s2+$0x0], $0xffff;
	v5 =	vimm.f32 $0.0e+00;
	v4 =	vimm.f32 $0.0e+00;
	v2 =	vimm.f32 $0.0e+00  }
.LBB2_2:
0x31: {  	p0 =	sne.s32 s16, $0x18C00;
	v12 =	vld.idx.msk [tilespmem:v12+s2+$0x0], $0xffff  }
0x32: {  	v18 =	vld.idx.msk [tilespmem:v18+s2+$0x0], $0xffff  }
0x33: {  	v19 =	vld.idx.msk [tilespmem:v19+s2+$0x0], $0xffff  }
0x34: {  	v20 =	vld.idx.msk [tilespmem:v20+s2+$0x0], $0xffff  }
0x35: {  	v21 =	vld.idx.msk [tilespmem:v21+s2+$0x0], $0xffff  }
0x36: {  	v22 =	vld.idx.msk [tilespmem:v22+s2+$0x0], $0xffff  }
0x37: {  	v23 =	vld.idx.msk [tilespmem:v23+s2+$0x0], $0xffff  }
0x38: {  	v24 =	vld.idx.msk [tilespmem:v24+s2+$0x0], $0xffff  }
0x39: {  	v17 =	vld.idx.msk [tilespmem:v17+s2+$0x0], $0xffff  }
0x3a: {  	v7 =	vadd.f32 v18, v7;
	v10 =	vadd.f32 v19, v10;
	v6 =	vld.idx.msk [tilespmem:v6+s2+$0x0], $0xffff  }
0x3b: {  	s17 =	sshra.s32 s16, $0x2;
	v8 =	vadd.f32 v20, v8;
	v9 =	vadd.f32 v21, v9;
	v3 =	vld.idx.msk [tilespmem:v3+s2+$0x0], $0xffff  }
0x3c: {  	v7 =	vadd.f32 v13, v7;
	v10 =	vadd.f32 v15, v10;
	v25 =	vld [tilespmem:s17+$0x2800]  }
0x3d: {  	v8 =	vadd.f32 v14, v8;
	v9 =	vadd.f32 v16, v9;
	v15 =	vld [tilespmem:s17+$0x2810]  }
0x3e: {  	v1 =	vadd.f32 v22, v1;
	v5 =	vadd.f32 v23, v5;
	v14 =	vld [tilespmem:s17+$0x2820]  }
0x3f: {  	v4 =	vadd.f32 v24, v4;
	v2 =	vadd.f32 v17, v2;
	v16 =	vld [tilespmem:s17+$0x2830]  }
0x40: {  	v1 =	vadd.f32 v11, v1;
	v5 =	vadd.f32 v12, v5;
	v26 =	vld [tilespmem:s17+$0x2840]  }
0x41: {  	v4 =	vadd.f32 v6, v4;
	v2 =	vadd.f32 v3, v2;
	v12 =	vld [tilespmem:s17+$0x2850]  }
0x42: {  	v6 =	vld [tilespmem:s17+$0x2860]  }
0x43: {  	v3 =	vld [tilespmem:s17+$0x2870]  }
0x44: {  	v18 =	vld [tilespmem:s17+$0x2780]  }
0x45: {  	v19 =	vld [tilespmem:s17+$0x2790]  }
0x46: {  	v20 =	vld [tilespmem:s17+$0x27A0]  }
0x47: {  	v21 =	vld [tilespmem:s17+$0x27B0]  }
0x48: {  	v22 =	vld [tilespmem:s17+$0x27C0]  }
0x49: {  	v23 =	vld [tilespmem:s17+$0x27D0]  }
0x4a: {  	v24 =	vld [tilespmem:s17+$0x27E0]  }
0x4b: {  	v17 =	vld [tilespmem:s17+$0x27F0]  }
.Ltmp0:
0x4c: {  	v13 =	vld.idx.msk [tilespmem:v25+s2+$0x0], $0xffff;
	(pc) =	sbr.rel @p0 .LBB2_2-.Ltmp0, $4  }
0x4d: {  	v15 =	vld.idx.msk [tilespmem:v15+s2+$0x0], $0xffff  }
0x4e: {  	v14 =	vld.idx.msk [tilespmem:v14+s2+$0x0], $0xffff  }
0x4f: {  	v16 =	vld.idx.msk [tilespmem:v16+s2+$0x0], $0xffff  }
0x50: {  	s16 =	sadd.s32 $0x400, s16;
	v11 =	vld.idx.msk [tilespmem:v26+s2+$0x0], $0xffff  }
0x51: {  	_ =	sdelay $0x3  }
0x52: {  	v18 =	vld.idx.msk [tilespmem:v18+s2+$0x0], $0xffff  }
0x53: {  	v19 =	vld.idx.msk [tilespmem:v19+s2+$0x0], $0xffff  }
0x54: {  	v20 =	vld.idx.msk [tilespmem:v20+s2+$0x0], $0xffff  }
0x55: {  	v21 =	vld.idx.msk [tilespmem:v21+s2+$0x0], $0xffff  }
0x56: {  	v22 =	vld.idx.msk [tilespmem:v22+s2+$0x0], $0xffff  }
0x57: {  	v23 =	vld.idx.msk [tilespmem:v23+s2+$0x0], $0xffff  }
0x58: {  	v24 =	vld.idx.msk [tilespmem:v24+s2+$0x0], $0xffff  }
0x59: {  	v17 =	vld.idx.msk [tilespmem:v17+s2+$0x0], $0xffff  }
0x5a: {  	v7 =	vadd.f32 v18, v7;
	v10 =	vadd.f32 v19, v10  }
0x5b: {  	v8 =	vadd.f32 v20, v8;
	v9 =	vadd.f32 v21, v9  }
0x5c: {  	v1 =	vadd.f32 v22, v1;
	v5 =	vadd.f32 v23, v5  }
0x5d: {  	v12 =	vld.idx.msk [tilespmem:v12+s2+$0x0], $0xffff;
	v4 =	vadd.f32 v24, v4;
	v7 =	vadd.f32 v13, v7  }
0x5e: {  	v6 =	vld.idx.msk [tilespmem:v6+s2+$0x0], $0xffff;
	v2 =	vadd.f32 v17, v2;
	v10 =	vadd.f32 v15, v10  }
0x5f: {  	v3 =	vld.idx.msk [tilespmem:v3+s2+$0x0], $0xffff;
	v8 =	vadd.f32 v14, v8;
	v7 =	vadd.f32 v7, v0  }
0x60: {  	v9 =	vadd.f32 v16, v9;
	v10 =	vadd.f32 v10, v0  }
0x61: {  	v1 =	vadd.f32 v11, v1;
	v59 =	vadd.f32 v8, v0;
	[tilespmem:$0x8C00] =	vst v7  }
0x62: {  	v5 =	vadd.f32 v12, v5;
	v60 =	vadd.f32 v9, v0;
	[tilespmem:$0x8C10] =	vst v10  }
0x63: {  	v4 =	vadd.f32 v6, v4;
	v1 =	vadd.f32 v1, v0;
	[tilespmem:$0x8C20] =	vst v59  }
0x64: {  	v2 =	vadd.f32 v3, v2;
	v61 =	vadd.f32 v5, v0;
	[tilespmem:$0x8C30] =	vst v60  }
0x65: {  	v62 =	vadd.f32 v4, v0;
	[tilespmem:$0x8C40] =	vst v1  }
0x66: {  	s15 =	sadd.s32 $0x1, s15;
	v63 =	vadd.f32 v2, v0;
	[tilespmem:$0x8C50] =	vst v61  }
0x67: {  	p0 =	sne.s32 s15, s7;
	[tilespmem:$0x8C60] =	vst v62  }
.Ltmp1:
0x68: {  	[tilespmem:$0x8C70] =	vst v63;
	(pc) =	sbr.rel @p0 .LBB2_1-.Ltmp1, $4  }
0x69: {  	[hbm4b:s6+s2] =	stream.linear.scatter [tilespmem:s13], [sflag:$0x2], $0x80, $0x38;
	[tilespmem:$0x8C80] =	vst v63  }
0x6a: {  	_ =	swait.ge [sflag:s14], $0x80  }
0x6b: {  	[sflag:s14] =	ssyncset.done $0x0  }
0x6c: {  	[sflag:s14] =	ssyncadd.s32 $0xFFFFFF80  }
0x6d: {  	_ =	sfence.sel $0x180000  }
0x6e: {  	[bflag:$0x0] =	sbarrier.arrive $0xFFFF  }
0x6f: {  	p0 =	sne.s32 s1, $0x0;
	_ =	strace $0x90000047  }
0x70: {  	s0 =	sadd.s32 @!p0 $0x100000, s0;
	[bflag:$0x2] =	sbarrier.arrive $0xFFFF  }
0x71: {  	[sflag:s0] =	ssyncadd.tile.s32 @!p0 $0x1;
	_ =	shalt  }
.Lfunc_end2:
_tile_overlayer_lowered:
.L_overlay_start_2:
0x72: {  	(tag) =	ssettag $0x2  }
0x73: {  	s0 =	rddreg [dreg:$0x0];
	s2 =	stileid.u32  }
0x74: {  	s1 =	rddreg [dreg:$0x1];
	p0 =	sne.s32 s2, $0x0  }
0x75: {  	s3 =	rddreg [dreg:$0x2];
	[bflag:$0x3] =	sbarrier.arrive $0xFFFF;
	s2 =	simm.s32 @!p0 $0x1C02  }
0x76: {  	[timem:s3], [sflag:s2] =	dma.local @!p0 [hbm:s0], s1  }
0x77: {  	s0 =	simm.s32 @!p0 $0x2  }
0x78: {  	_ =	swait.ge @!p0 [sflag:s0], s1  }
0x79: {  	s1 =	ssub.s32 @!p0 $0x0, s1;
	[sflag:s0] =	ssyncset.done @!p0 $0x0  }
0x7a: {  	[sflag:s0] =	ssyncadd.s32 @!p0 s1  }
0x7b: {  	[bflag:$0x3] =	sbarrier.arrive $0xFFFF  }
0x7c: {  	_ =	shalt  }

</sc_bundles>
